<compile_context>
chip_gen: v7x
topology: tpu7x:2x2x1
jax: 0.10.2.dev20260603
libtpu: 0.0.44.dev20260713+nightly
codegen_flags: <defaults>
</compile_context>

<pallas_src>
import functools

import jax
import jax.numpy as jnp
from jax import lax
from jax.experimental import pallas as pl
from jax.experimental.pallas import tpu as pltpu
from jax.experimental.pallas import tpu_sc as plsc

S = 8192
I = 1000
C = 50
G = 20
D = 128
BS = 2048
NB = S // BS

try:
    _info = plsc.get_sparse_core_info()
    _NC, _NS = _info.num_cores, _info.num_subcores
except Exception:
    _NC, _NS = 2, 16
NW = _NC * _NS
RPW = S // NW
CHUNK = 128
NCH = RPW // CHUNK


def _sc_gather_body(idx_hbm, tab1_hbm, tab2_hbm, out1_hbm, out2_hbm,
                    idx_v, rows1_v, rows2_v, sem1, sem2, sem3, sem4):
    wid = lax.axis_index("s") * _NC + lax.axis_index("c")
    base = wid * RPW
    pltpu.sync_copy(idx_hbm.at[pl.ds(wid * NCH, NCH)], idx_v)
    cps1 = [pltpu.async_copy(tab1_hbm.at[idx_v.at[j]], rows1_v.at[j], sem1)
            for j in range(NCH)]
    cps2 = [pltpu.async_copy(tab2_hbm.at[idx_v.at[j]], rows2_v.at[j], sem2)
            for j in range(NCH)]
    wrs = []
    for j in range(NCH):
        cps1[j].wait()
        wrs.append(pltpu.async_copy(
            rows1_v.at[j], out1_hbm.at[pl.ds(base + j * CHUNK, CHUNK)], sem3))
    for j in range(NCH):
        cps2[j].wait()
        wrs.append(pltpu.async_copy(
            rows2_v.at[j], out2_hbm.at[pl.ds(base + j * CHUNK, CHUNK)], sem4))
    for cp in wrs:
        cp.wait()


def _make_sc_gather():
    return functools.partial(
        pl.kernel,
        out_type=(jax.ShapeDtypeStruct((S, D), jnp.float32),
                  jax.ShapeDtypeStruct((S, D), jnp.float32)),
        mesh=plsc.VectorSubcoreMesh(core_axis_name="c", subcore_axis_name="s",
                                    num_cores=_NC, num_subcores=_NS),
        scratch_types=[
            pltpu.VMEM((NCH, CHUNK), jnp.int32),
            pltpu.VMEM((NCH, CHUNK, D), jnp.float32),
            pltpu.VMEM((NCH, CHUNK, D), jnp.float32),
            pltpu.SemaphoreType.DMA,
            pltpu.SemaphoreType.DMA,
            pltpu.SemaphoreType.DMA,
            pltpu.SemaphoreType.DMA,
        ],
    )(_sc_gather_body)


def _tc_body(lamm1_ref, tu_ref, tc_ref, ais_ref, ac_ref, oh_ref,
             out_ref, m_scratch):
    i = pl.program_id(0)
    dn = (((1,), (1,)), ((), ()))
    tu_bf = tu_ref[...].astype(jnp.bfloat16)
    tc_bf = tc_ref[...].astype(jnp.bfloat16)
    ys = lax.dot_general(ais_ref[...], tu_bf, dn,
                         preferred_element_type=jnp.float32)
    e = jnp.exp(ys).astype(jnp.bfloat16)
    ssum = lax.dot_general(oh_ref[...], e, (((1,), (0,)), ((), ())),
                           preferred_element_type=jnp.float32)
    inc = jnp.log(ssum)
    w = lax.dot_general(ac_ref[...], tc_bf, dn,
                        preferred_element_type=jnp.float32)
    lamm1 = lamm1_ref[...]

    @pl.when(i == 0)
    def _():
        srow = lax.broadcasted_iota(jnp.int32, (BS, C), 0)
        jcol = lax.broadcasted_iota(jnp.int32, (BS, C), 1)
        sel = jnp.where(srow == G * jcol, 1.0, 0.0)
        l_t = w + (lamm1 + 1.0) * inc
        l_sp = lax.dot_general(l_t, sel, (((1,), (0,)), ((), ())),
                               preferred_element_type=jnp.float32)
        mm = jnp.max(l_sp, axis=1, keepdims=True)
        m_scratch[...] = mm + jnp.log(
            jnp.sum(jnp.exp(l_sp - mm), axis=1, keepdims=True))

    b = (w + lamm1 * inc - m_scratch[...]).astype(jnp.bfloat16)
    b_items = lax.dot_general(oh_ref[...], b, (((0,), (0,)), ((), ())),
                              preferred_element_type=jnp.float32)
    out_ref[...] = jnp.log(e.astype(jnp.float32)) + b_items


def kernel(user_index, theta_user_item, alpha_item, theta_user_cat,
           alpha_category, lambda_weight):
    idx2d = user_index.astype(jnp.int32).reshape(NW * NCH, CHUNK)
    tu, tc = _make_sc_gather()(idx2d, theta_user_item, theta_user_cat)

    lamm1_col = (lambda_weight - 1.0).reshape(C, 1)
    invlam = (1.0 / jnp.repeat(lambda_weight, G)).reshape(I, 1)
    ai_s = (alpha_item * invlam).astype(jnp.bfloat16)
    ac_bf = alpha_category.astype(jnp.bfloat16)
    oh = (jnp.arange(I, dtype=jnp.int32)[None, :] // G
          == jnp.arange(C, dtype=jnp.int32)[:, None]).astype(jnp.bfloat16)
    out_t = pl.pallas_call(
        _tc_body,
        grid=(NB,),
        in_specs=[
            pl.BlockSpec((C, 1), lambda i: (0, 0)),
            pl.BlockSpec((BS, D), lambda i: (i, 0)),
            pl.BlockSpec((BS, D), lambda i: (i, 0)),
            pl.BlockSpec((I, D), lambda i: (0, 0)),
            pl.BlockSpec((C, D), lambda i: (0, 0)),
            pl.BlockSpec((C, I), lambda i: (0, 0)),
        ],
        out_specs=pl.BlockSpec((I, BS), lambda i: (0, i)),
        out_shape=jax.ShapeDtypeStruct((I, S), jnp.float32),
        scratch_shapes=[pltpu.VMEM((C, 1), jnp.float32)],
    )(lamm1_col, tu, tc, ai_s, ac_bf, oh)
    return out_t.T

# --- scband reference (transcript-rebuilt; emitter-appended) ---
"""Pipeline reference for scband-nested-bemb-19069654794315 (READ-ONLY COPY).

The authoritative reference and input builder live on the scoring server;
editing this copy changes nothing except your own understanding.
"""

import jax, jax.numpy as jnp
import numpy as np

NUM_USERS = 100000
NUM_ITEMS = 1000
NUM_CATEGORIES = 50
ITEMS_PER_CATEGORY = 20
LATENT_DIM_ITEM = 128
LATENT_DIM_CATEGORY = 128
NUM_SESSIONS = 8192


def setup_inputs(seed: int = 0) -> dict:
    key = jax.random.key(seed)
    k1, k2, k3, k4, k5, k6 = jax.random.split(key, 6)
    user_index = jax.random.randint(k1, (NUM_SESSIONS,), 0, NUM_USERS)
    theta_user_item = jax.random.normal(k2, (NUM_USERS, LATENT_DIM_ITEM), dtype=jnp.float32) * 0.1
    alpha_item = jax.random.normal(k3, (NUM_ITEMS, LATENT_DIM_ITEM), dtype=jnp.float32) * 0.1
    theta_user_cat = jax.random.normal(k4, (NUM_USERS, LATENT_DIM_CATEGORY), dtype=jnp.float32) * 0.1
    alpha_category = jax.random.normal(k5, (NUM_CATEGORIES, LATENT_DIM_CATEGORY), dtype=jnp.float32) * 0.1
    lambda_weight = jax.random.uniform(k6, (NUM_CATEGORIES,), minval=0.2, maxval=1.0, dtype=jnp.float32)
    return {
        "user_index": user_index,
        "theta_user_item": theta_user_item,
        "alpha_item": alpha_item,
        "theta_user_cat": theta_user_cat,
        "alpha_category": alpha_category,
        "lambda_weight": lambda_weight,
    }


def _segment_logsumexp(x, seg_ids, num_segments):
    # x: [N, S]; numerically stable per-segment logsumexp over leading axis.
    m = jax.ops.segment_max(x, seg_ids, num_segments=num_segments, indices_are_sorted=True)
    m = jax.lax.stop_gradient(m)
    m = jnp.where(jnp.isfinite(m), m, 0.0)
    s = jax.ops.segment_sum(jnp.exp(x - m[seg_ids]), seg_ids, num_segments=num_segments, indices_are_sorted=True)
    return m + jnp.log(s)


def reference(user_index, theta_user_item, alpha_item, theta_user_cat, alpha_category, lambda_weight):
    # category_to_item is a contiguous partition: item i belongs to category i // ITEMS_PER_CATEGORY
    item_cat = jnp.arange(NUM_ITEMS) // ITEMS_PER_CATEGORY
    # BEMB_item.log_likelihood_all_items(..., return_logit=True) with variational means:
    # Y[seed, session, item] = theta_user_item[user] . alpha_item, num_seeds = 1
    Y = (theta_user_item[user_index] @ alpha_item.T)[None, :, :]  # [1, S, I]
    # BEMB_category.log_likelihood(..., return_logit=True):
    W = (theta_user_cat[user_index] @ alpha_category.T)[None, :, :]  # [1, S, C]
    lambdas = lambda_weight  # shared_lambda=False
    # Y[:, :, Bk] /= lambdas[k]
    Ys = Y / lambdas[item_cat][None, None, :]
    # inclusive_value[k] = logsumexp(Y[:, :, Bk], dim=-1) -> segment logsumexp over items
    inc = _segment_logsumexp(Ys[0].T, item_cat, NUM_CATEGORIES)  # [C, S]
    I_full = inc[item_cat].T[None, :, :]  # [1, S, I]
    logP_item = Ys - I_full
    # logit[:, :, Bk] = W[:, :, k] + lambdas[k] * inclusive_value[k]
    logit = (W[0][:, item_cat] + lambdas[item_cat][None, :] * inc[item_cat].T)[None, :, :]  # [1, S, I]
    # cols = first item of each category; faithful to original: logit[:, cols] indexes dim=1
    cols = jnp.arange(NUM_CATEGORIES) * ITEMS_PER_CATEGORY
    lse = jax.scipy.special.logsumexp(logit[:, cols, :], axis=1, keepdims=True)  # [1, 1, I]
    logP_category = logit - lse
    logP = logP_item + logP_category
    return jnp.squeeze(logP, axis=0)  # [S, I]

if __name__ == "__main__":
    import jax
    _d = setup_inputs()
    print(jax.jit(kernel)(*tuple(_d.values())))

</pallas_src>

<mosaic_0001>
#map = affine_map<(d0, d1) -> (0, 0)>
module attributes {stable_mosaic.version = 14 : i64} {
  func.func @_sc_gather_body(%arg0: i32, %arg1: i32, %arg2: memref<64x128xi32, #tpu.memory_space<hbm>>, %arg3: memref<100000x128xf32, #tpu.memory_space<hbm>>, %arg4: memref<100000x128xf32, #tpu.memory_space<hbm>>, %arg5: memref<8192x128xf32, #tpu.memory_space<hbm>>, %arg6: memref<8192x128xf32, #tpu.memory_space<hbm>>, %arg7: memref<2x128xi32, #tpu.memory_space<vmem>>, %arg8: memref<2x128x128xf32, #tpu.memory_space<vmem>>, %arg9: memref<2x128x128xf32, #tpu.memory_space<vmem>>, %arg10: memref<!tpu.dma_semaphore, #tpu.memory_space<semaphore_mem>>, %arg11: memref<!tpu.dma_semaphore, #tpu.memory_space<semaphore_mem>>, %arg12: memref<!tpu.dma_semaphore, #tpu.memory_space<semaphore_mem>>, %arg13: memref<!tpu.dma_semaphore, #tpu.memory_space<semaphore_mem>>) attributes {dimension_semantics = [#tpu.dimension_semantics<core_parallel>, #tpu.dimension_semantics<subcore_parallel>], iteration_bounds = array<i64: 2, 16>, scalar_prefetch = 0 : i64, scratch_operands = 7 : i64, tpu.core_type = #tpu.core_type<sc_vector_subcore>, window_params = [{transform_indices = #map}, {transform_indices = #map}, {transform_indices = #map}, {transform_indices = #map}, {transform_indices = #map}]} {
    %mul3A = arith.constant 2 : i32
    %mul3A_0 = arith.muli %arg1, %mul3A : i32
    %add3A = arith.addi %mul3A_0, %arg0 : i32
    %mul3A_1 = arith.constant 256 : i32
    %mul3A_2 = arith.muli %add3A, %mul3A_1 : i32
    %mul3A_3 = arith.constant 2 : i32
    %mul3A_4 = arith.muli %add3A, %mul3A_3 : i32
    "tpu.region"() ({
      %run_scoped3A = tpu.sem_alloc : memref<!tpu.dma_semaphore, #tpu.memory_space<semaphore_mem>>
      %dma_start3A_211 = arith.constant 0 : i32
      %dma_start3A_212 = tpu.memref_slice %arg2[%mul3A_4, %dma_start3A_211] : memref<64x128xi32, #tpu.memory_space<hbm>> -> memref<2x128xi32, #tpu.memory_space<hbm>>
      %dma_start3A_213 = arith.constant 0 : i32
      %dma_start3A_214 = tpu.memref_slice %arg2[%mul3A_4, %dma_start3A_213] : memref<64x128xi32, #tpu.memory_space<hbm>> -> memref<2x128xi32, #tpu.memory_space<hbm>>
      tpu.enqueue_dma source(%dma_start3A_214 : memref<2x128xi32, #tpu.memory_space<hbm>>) target(%arg7 : memref<2x128xi32, #tpu.memory_space<vmem>>) target_semaphore(%run_scoped3A : memref<!tpu.dma_semaphore, #tpu.memory_space<semaphore_mem>>)
      %dma_wait3A_215 = arith.constant 0 : i32
      %dma_wait3A_216 = tpu.memref_slice %arg2[%mul3A_4, %dma_wait3A_215] : memref<64x128xi32, #tpu.memory_space<hbm>> -> memref<2x128xi32, #tpu.memory_space<hbm>>
      %dma_wait3A_217 = arith.constant 0 : i32
      %dma_wait3A_218 = tpu.memref_slice %arg2[%mul3A_4, %dma_wait3A_217] : memref<64x128xi32, #tpu.memory_space<hbm>> -> memref<2x128xi32, #tpu.memory_space<hbm>>
      tpu.wait_dma2 semaphore(%run_scoped3A : memref<!tpu.dma_semaphore, #tpu.memory_space<semaphore_mem>>) src(%dma_wait3A_218 : memref<2x128xi32, #tpu.memory_space<hbm>>) dst(%arg7 : memref<2x128xi32, #tpu.memory_space<vmem>>)
      tpu.yield
    }) : () -> ()
    %dma_start3A = arith.constant 0 : i32
    %dma_start3A_5 = arith.constant 0 : i32
    %dma_start3A_6 = arith.constant 0 : i32
    %dma_start3A_7 = arith.constant 0 : i32
    %dma_start3A_8 = tpu.memref_slice %arg8[%dma_start3A_5, %dma_start3A_6, %dma_start3A_7] : memref<2x128x128xf32, #tpu.memory_space<vmem>> -> memref<1x128x128xf32, #tpu.memory_space<vmem>>
    %dma_start3A_9 = tpu.memref_squeeze %dma_start3A_8 : memref<1x128x128xf32, #tpu.memory_space<vmem>> -> memref<128x128xf32, #tpu.memory_space<vmem>>
    %dma_start3A_10 = arith.constant 0 : i32
    %dma_start3A_11 = tpu.memref_slice %arg7[%dma_start3A, %dma_start3A_10] : memref<2x128xi32, #tpu.memory_space<vmem>> -> memref<1x128xi32, #tpu.memory_space<vmem>>
    %dma_start3A_12 = tpu.memref_squeeze %dma_start3A_11 : memref<1x128xi32, #tpu.memory_space<vmem>> -> memref<128xi32, #tpu.memory_space<vmem>>
    %dma_start3A_13 = arith.constant 0 : i32
    %dma_start3A_14 = arith.constant 0 : i32
    %dma_start3A_15 = tpu.memref_slice %arg3[%dma_start3A_13, %dma_start3A_14] : memref<100000x128xf32, #tpu.memory_space<hbm>> -> memref<100000x128xf32, #tpu.memory_space<hbm>>
    tpu.enqueue_indirect_dma source(%dma_start3A_15 : memref<100000x128xf32, #tpu.memory_space<hbm>>) target(%dma_start3A_9 : memref<128x128xf32, #tpu.memory_space<vmem>>) offsets(%dma_start3A_12 : memref<128xi32, #tpu.memory_space<vmem>>) semaphore(%arg10 : memref<!tpu.dma_semaphore, #tpu.memory_space<semaphore_mem>>)
    %dma_start3A_16 = arith.constant 1 : i32
    %dma_start3A_17 = arith.constant 1 : i32
    %dma_start3A_18 = arith.constant 0 : i32
    %dma_start3A_19 = arith.constant 0 : i32
    %dma_start3A_20 = tpu.memref_slice %arg8[%dma_start3A_17, %dma_start3A_18, %dma_start3A_19] : memref<2x128x128xf32, #tpu.memory_space<vmem>> -> memref<1x128x128xf32, #tpu.memory_space<vmem>>
    %dma_start3A_21 = tpu.memref_squeeze %dma_start3A_20 : memref<1x128x128xf32, #tpu.memory_space<vmem>> -> memref<128x128xf32, #tpu.memory_space<vmem>>
    %dma_start3A_22 = arith.constant 0 : i32
    %dma_start3A_23 = tpu.memref_slice %arg7[%dma_start3A_16, %dma_start3A_22] : memref<2x128xi32, #tpu.memory_space<vmem>> -> memref<1x128xi32, #tpu.memory_space<vmem>>
    %dma_start3A_24 = tpu.memref_squeeze %dma_start3A_23 : memref<1x128xi32, #tpu.memory_space<vmem>> -> memref<128xi32, #tpu.memory_space<vmem>>
    %dma_start3A_25 = arith.constant 0 : i32
    %dma_start3A_26 = arith.constant 0 : i32
    %dma_start3A_27 = tpu.memref_slice %arg3[%dma_start3A_25, %dma_start3A_26] : memref<100000x128xf32, #tpu.memory_space<hbm>> -> memref<100000x128xf32, #tpu.memory_space<hbm>>
    tpu.enqueue_indirect_dma source(%dma_start3A_27 : memref<100000x128xf32, #tpu.memory_space<hbm>>) target(%dma_start3A_21 : memref<128x128xf32, #tpu.memory_space<vmem>>) offsets(%dma_start3A_24 : memref<128xi32, #tpu.memory_space<vmem>>) semaphore(%arg10 : memref<!tpu.dma_semaphore, #tpu.memory_space<semaphore_mem>>)
    %dma_start3A_28 = arith.constant 0 : i32
    %dma_start3A_29 = arith.constant 0 : i32
    %dma_start3A_30 = arith.constant 0 : i32
    %dma_start3A_31 = arith.constant 0 : i32
    %dma_start3A_32 = tpu.memref_slice %arg9[%dma_start3A_29, %dma_start3A_30, %dma_start3A_31] : memref<2x128x128xf32, #tpu.memory_space<vmem>> -> memref<1x128x128xf32, #tpu.memory_space<vmem>>
    %dma_start3A_33 = tpu.memref_squeeze %dma_start3A_32 : memref<1x128x128xf32, #tpu.memory_space<vmem>> -> memref<128x128xf32, #tpu.memory_space<vmem>>
    %dma_start3A_34 = arith.constant 0 : i32
    %dma_start3A_35 = tpu.memref_slice %arg7[%dma_start3A_28, %dma_start3A_34] : memref<2x128xi32, #tpu.memory_space<vmem>> -> memref<1x128xi32, #tpu.memory_space<vmem>>
    %dma_start3A_36 = tpu.memref_squeeze %dma_start3A_35 : memref<1x128xi32, #tpu.memory_space<vmem>> -> memref<128xi32, #tpu.memory_space<vmem>>
    %dma_start3A_37 = arith.constant 0 : i32
    %dma_start3A_38 = arith.constant 0 : i32
    %dma_start3A_39 = tpu.memref_slice %arg4[%dma_start3A_37, %dma_start3A_38] : memref<100000x128xf32, #tpu.memory_space<hbm>> -> memref<100000x128xf32, #tpu.memory_space<hbm>>
    tpu.enqueue_indirect_dma source(%dma_start3A_39 : memref<100000x128xf32, #tpu.memory_space<hbm>>) target(%dma_start3A_33 : memref<128x128xf32, #tpu.memory_space<vmem>>) offsets(%dma_start3A_36 : memref<128xi32, #tpu.memory_space<vmem>>) semaphore(%arg11 : memref<!tpu.dma_semaphore, #tpu.memory_space<semaphore_mem>>)
    %dma_start3A_40 = arith.constant 1 : i32
    %dma_start3A_41 = arith.constant 1 : i32
    %dma_start3A_42 = arith.constant 0 : i32
    %dma_start3A_43 = arith.constant 0 : i32
    %dma_start3A_44 = tpu.memref_slice %arg9[%dma_start3A_41, %dma_start3A_42, %dma_start3A_43] : memref<2x128x128xf32, #tpu.memory_space<vmem>> -> memref<1x128x128xf32, #tpu.memory_space<vmem>>
    %dma_start3A_45 = tpu.memref_squeeze %dma_start3A_44 : memref<1x128x128xf32, #tpu.memory_space<vmem>> -> memref<128x128xf32, #tpu.memory_space<vmem>>
    %dma_start3A_46 = arith.constant 0 : i32
    %dma_start3A_47 = tpu.memref_slice %arg7[%dma_start3A_40, %dma_start3A_46] : memref<2x128xi32, #tpu.memory_space<vmem>> -> memref<1x128xi32, #tpu.memory_space<vmem>>
    %dma_start3A_48 = tpu.memref_squeeze %dma_start3A_47 : memref<1x128xi32, #tpu.memory_space<vmem>> -> memref<128xi32, #tpu.memory_space<vmem>>
    %dma_start3A_49 = arith.constant 0 : i32
    %dma_start3A_50 = arith.constant 0 : i32
    %dma_start3A_51 = tpu.memref_slice %arg4[%dma_start3A_49, %dma_start3A_50] : memref<100000x128xf32, #tpu.memory_space<hbm>> -> memref<100000x128xf32, #tpu.memory_space<hbm>>
    tpu.enqueue_indirect_dma source(%dma_start3A_51 : memref<100000x128xf32, #tpu.memory_space<hbm>>) target(%dma_start3A_45 : memref<128x128xf32, #tpu.memory_space<vmem>>) offsets(%dma_start3A_48 : memref<128xi32, #tpu.memory_space<vmem>>) semaphore(%arg11 : memref<!tpu.dma_semaphore, #tpu.memory_space<semaphore_mem>>)
    %dma_wait3A = arith.constant 0 : i32
    %dma_wait3A_52 = arith.constant 0 : i32
    %dma_wait3A_53 = arith.constant 0 : i32
    %dma_wait3A_54 = arith.constant 0 : i32
    %dma_wait3A_55 = tpu.memref_slice %arg8[%dma_wait3A_52, %dma_wait3A_53, %dma_wait3A_54] : memref<2x128x128xf32, #tpu.memory_space<vmem>> -> memref<1x128x128xf32, #tpu.memory_space<vmem>>
    %dma_wait3A_56 = tpu.memref_squeeze %dma_wait3A_55 : memref<1x128x128xf32, #tpu.memory_space<vmem>> -> memref<128x128xf32, #tpu.memory_space<vmem>>
    %dma_wait3A_57 = arith.constant 0 : i32
    %dma_wait3A_58 = tpu.memref_slice %arg7[%dma_wait3A, %dma_wait3A_57] : memref<2x128xi32, #tpu.memory_space<vmem>> -> memref<1x128xi32, #tpu.memory_space<vmem>>
    %dma_wait3A_59 = tpu.memref_squeeze %dma_wait3A_58 : memref<1x128xi32, #tpu.memory_space<vmem>> -> memref<128xi32, #tpu.memory_space<vmem>>
    %dma_wait3A_60 = arith.constant 0 : i32
    %dma_wait3A_61 = arith.constant 0 : i32
    %dma_wait3A_62 = tpu.memref_slice %arg3[%dma_wait3A_60, %dma_wait3A_61] : memref<100000x128xf32, #tpu.memory_space<hbm>> -> memref<100000x128xf32, #tpu.memory_space<hbm>>
    tpu.wait_indirect_dma semaphore(%arg10 : memref<!tpu.dma_semaphore, #tpu.memory_space<semaphore_mem>>) src(%dma_wait3A_62 : memref<100000x128xf32, #tpu.memory_space<hbm>>) dst(%dma_wait3A_56 : memref<128x128xf32, #tpu.memory_space<vmem>>)
    %add3A_63 = arith.constant 0 : i32
    %add3A_64 = arith.addi %mul3A_2, %add3A_63 : i32
    %dma_start3A_65 = arith.constant 0 : i32
    %dma_start3A_66 = arith.constant 0 : i32
    %dma_start3A_67 = arith.constant 0 : i32
    %dma_start3A_68 = tpu.memref_slice %arg8[%dma_start3A_65, %dma_start3A_66, %dma_start3A_67] : memref<2x128x128xf32, #tpu.memory_space<vmem>> -> memref<1x128x128xf32, #tpu.memory_space<vmem>>
    %dma_start3A_69 = tpu.memref_squeeze %dma_start3A_68 : memref<1x128x128xf32, #tpu.memory_space<vmem>> -> memref<128x128xf32, #tpu.memory_space<vmem>>
    %dma_start3A_70 = arith.constant 0 : i32
    %dma_start3A_71 = tpu.memref_slice %arg5[%add3A_64, %dma_start3A_70] : memref<8192x128xf32, #tpu.memory_space<hbm>> -> memref<128x128xf32, #tpu.memory_space<hbm>>
    %dma_start3A_72 = arith.constant 0 : i32
    %dma_start3A_73 = tpu.memref_slice %arg5[%add3A_64, %dma_start3A_72] : memref<8192x128xf32, #tpu.memory_space<hbm>> -> memref<128x128xf32, #tpu.memory_space<hbm>>
    %dma_start3A_74 = arith.constant 0 : i32
    %dma_start3A_75 = arith.constant 0 : i32
    %dma_start3A_76 = tpu.memref_slice %arg8[%dma_start3A_65, %dma_start3A_74, %dma_start3A_75] : memref<2x128x128xf32, #tpu.memory_space<vmem>> -> memref<1x128x128xf32, #tpu.memory_space<vmem>>
    %dma_start3A_77 = tpu.memref_squeeze %dma_start3A_76 : memref<1x128x128xf32, #tpu.memory_space<vmem>> -> memref<128x128xf32, #tpu.memory_space<vmem>>
    tpu.enqueue_dma source(%dma_start3A_77 : memref<128x128xf32, #tpu.memory_space<vmem>>) target(%dma_start3A_73 : memref<128x128xf32, #tpu.memory_space<hbm>>) target_semaphore(%arg12 : memref<!tpu.dma_semaphore, #tpu.memory_space<semaphore_mem>>)
    %dma_wait3A_78 = arith.constant 1 : i32
    %dma_wait3A_79 = arith.constant 1 : i32
    %dma_wait3A_80 = arith.constant 0 : i32
    %dma_wait3A_81 = arith.constant 0 : i32
    %dma_wait3A_82 = tpu.memref_slice %arg8[%dma_wait3A_79, %dma_wait3A_80, %dma_wait3A_81] : memref<2x128x128xf32, #tpu.memory_space<vmem>> -> memref<1x128x128xf32, #tpu.memory_space<vmem>>
    %dma_wait3A_83 = tpu.memref_squeeze %dma_wait3A_82 : memref<1x128x128xf32, #tpu.memory_space<vmem>> -> memref<128x128xf32, #tpu.memory_space<vmem>>
    %dma_wait3A_84 = arith.constant 0 : i32
    %dma_wait3A_85 = tpu.memref_slice %arg7[%dma_wait3A_78, %dma_wait3A_84] : memref<2x128xi32, #tpu.memory_space<vmem>> -> memref<1x128xi32, #tpu.memory_space<vmem>>
    %dma_wait3A_86 = tpu.memref_squeeze %dma_wait3A_85 : memref<1x128xi32, #tpu.memory_space<vmem>> -> memref<128xi32, #tpu.memory_space<vmem>>
    %dma_wait3A_87 = arith.constant 0 : i32
    %dma_wait3A_88 = arith.constant 0 : i32
    %dma_wait3A_89 = tpu.memref_slice %arg3[%dma_wait3A_87, %dma_wait3A_88] : memref<100000x128xf32, #tpu.memory_space<hbm>> -> memref<100000x128xf32, #tpu.memory_space<hbm>>
    tpu.wait_indirect_dma semaphore(%arg10 : memref<!tpu.dma_semaphore, #tpu.memory_space<semaphore_mem>>) src(%dma_wait3A_89 : memref<100000x128xf32, #tpu.memory_space<hbm>>) dst(%dma_wait3A_83 : memref<128x128xf32, #tpu.memory_space<vmem>>)
    %add3A_90 = arith.constant 128 : i32
    %add3A_91 = arith.addi %mul3A_2, %add3A_90 : i32
    %dma_start3A_92 = arith.constant 1 : i32
    %dma_start3A_93 = arith.constant 0 : i32
    %dma_start3A_94 = arith.constant 0 : i32
    %dma_start3A_95 = tpu.memref_slice %arg8[%dma_start3A_92, %dma_start3A_93, %dma_start3A_94] : memref<2x128x128xf32, #tpu.memory_space<vmem>> -> memref<1x128x128xf32, #tpu.memory_space<vmem>>
    %dma_start3A_96 = tpu.memref_squeeze %dma_start3A_95 : memref<1x128x128xf32, #tpu.memory_space<vmem>> -> memref<128x128xf32, #tpu.memory_space<vmem>>
    %dma_start3A_97 = arith.constant 0 : i32
    %dma_start3A_98 = tpu.memref_slice %arg5[%add3A_91, %dma_start3A_97] : memref<8192x128xf32, #tpu.memory_space<hbm>> -> memref<128x128xf32, #tpu.memory_space<hbm>>
    %dma_start3A_99 = arith.constant 0 : i32
    %dma_start3A_100 = tpu.memref_slice %arg5[%add3A_91, %dma_start3A_99] : memref<8192x128xf32, #tpu.memory_space<hbm>> -> memref<128x128xf32, #tpu.memory_space<hbm>>
    %dma_start3A_101 = arith.constant 0 : i32
    %dma_start3A_102 = arith.constant 0 : i32
    %dma_start3A_103 = tpu.memref_slice %arg8[%dma_start3A_92, %dma_start3A_101, %dma_start3A_102] : memref<2x128x128xf32, #tpu.memory_space<vmem>> -> memref<1x128x128xf32, #tpu.memory_space<vmem>>
    %dma_start3A_104 = tpu.memref_squeeze %dma_start3A_103 : memref<1x128x128xf32, #tpu.memory_space<vmem>> -> memref<128x128xf32, #tpu.memory_space<vmem>>
    tpu.enqueue_dma source(%dma_start3A_104 : memref<128x128xf32, #tpu.memory_space<vmem>>) target(%dma_start3A_100 : memref<128x128xf32, #tpu.memory_space<hbm>>) target_semaphore(%arg12 : memref<!tpu.dma_semaphore, #tpu.memory_space<semaphore_mem>>)
    %dma_wait3A_105 = arith.constant 0 : i32
    %dma_wait3A_106 = arith.constant 0 : i32
    %dma_wait3A_107 = arith.constant 0 : i32
    %dma_wait3A_108 = arith.constant 0 : i32
    %dma_wait3A_109 = tpu.memref_slice %arg9[%dma_wait3A_106, %dma_wait3A_107, %dma_wait3A_108] : memref<2x128x128xf32, #tpu.memory_space<vmem>> -> memref<1x128x128xf32, #tpu.memory_space<vmem>>
    %dma_wait3A_110 = tpu.memref_squeeze %dma_wait3A_109 : memref<1x128x128xf32, #tpu.memory_space<vmem>> -> memref<128x128xf32, #tpu.memory_space<vmem>>
    %dma_wait3A_111 = arith.constant 0 : i32
    %dma_wait3A_112 = tpu.memref_slice %arg7[%dma_wait3A_105, %dma_wait3A_111] : memref<2x128xi32, #tpu.memory_space<vmem>> -> memref<1x128xi32, #tpu.memory_space<vmem>>
    %dma_wait3A_113 = tpu.memref_squeeze %dma_wait3A_112 : memref<1x128xi32, #tpu.memory_space<vmem>> -> memref<128xi32, #tpu.memory_space<vmem>>
    %dma_wait3A_114 = arith.constant 0 : i32
    %dma_wait3A_115 = arith.constant 0 : i32
    %dma_wait3A_116 = tpu.memref_slice %arg4[%dma_wait3A_114, %dma_wait3A_115] : memref<100000x128xf32, #tpu.memory_space<hbm>> -> memref<100000x128xf32, #tpu.memory_space<hbm>>
    tpu.wait_indirect_dma semaphore(%arg11 : memref<!tpu.dma_semaphore, #tpu.memory_space<semaphore_mem>>) src(%dma_wait3A_116 : memref<100000x128xf32, #tpu.memory_space<hbm>>) dst(%dma_wait3A_110 : memref<128x128xf32, #tpu.memory_space<vmem>>)
    %add3A_117 = arith.constant 0 : i32
    %add3A_118 = arith.addi %mul3A_2, %add3A_117 : i32
    %dma_start3A_119 = arith.constant 0 : i32
    %dma_start3A_120 = arith.constant 0 : i32
    %dma_start3A_121 = arith.constant 0 : i32
    %dma_start3A_122 = tpu.memref_slice %arg9[%dma_start3A_119, %dma_start3A_120, %dma_start3A_121] : memref<2x128x128xf32, #tpu.memory_space<vmem>> -> memref<1x128x128xf32, #tpu.memory_space<vmem>>
    %dma_start3A_123 = tpu.memref_squeeze %dma_start3A_122 : memref<1x128x128xf32, #tpu.memory_space<vmem>> -> memref<128x128xf32, #tpu.memory_space<vmem>>
    %dma_start3A_124 = arith.constant 0 : i32
    %dma_start3A_125 = tpu.memref_slice %arg6[%add3A_118, %dma_start3A_124] : memref<8192x128xf32, #tpu.memory_space<hbm>> -> memref<128x128xf32, #tpu.memory_space<hbm>>
    %dma_start3A_126 = arith.constant 0 : i32
    %dma_start3A_127 = tpu.memref_slice %arg6[%add3A_118, %dma_start3A_126] : memref<8192x128xf32, #tpu.memory_space<hbm>> -> memref<128x128xf32, #tpu.memory_space<hbm>>
    %dma_start3A_128 = arith.constant 0 : i32
    %dma_start3A_129 = arith.constant 0 : i32
    %dma_start3A_130 = tpu.memref_slice %arg9[%dma_start3A_119, %dma_start3A_128, %dma_start3A_129] : memref<2x128x128xf32, #tpu.memory_space<vmem>> -> memref<1x128x128xf32, #tpu.memory_space<vmem>>
    %dma_start3A_131 = tpu.memref_squeeze %dma_start3A_130 : memref<1x128x128xf32, #tpu.memory_space<vmem>> -> memref<128x128xf32, #tpu.memory_space<vmem>>
    tpu.enqueue_dma source(%dma_start3A_131 : memref<128x128xf32, #tpu.memory_space<vmem>>) target(%dma_start3A_127 : memref<128x128xf32, #tpu.memory_space<hbm>>) target_semaphore(%arg13 : memref<!tpu.dma_semaphore, #tpu.memory_space<semaphore_mem>>)
    %dma_wait3A_132 = arith.constant 1 : i32
    %dma_wait3A_133 = arith.constant 1 : i32
    %dma_wait3A_134 = arith.constant 0 : i32
    %dma_wait3A_135 = arith.constant 0 : i32
    %dma_wait3A_136 = tpu.memref_slice %arg9[%dma_wait3A_133, %dma_wait3A_134, %dma_wait3A_135] : memref<2x128x128xf32, #tpu.memory_space<vmem>> -> memref<1x128x128xf32, #tpu.memory_space<vmem>>
    %dma_wait3A_137 = tpu.memref_squeeze %dma_wait3A_136 : memref<1x128x128xf32, #tpu.memory_space<vmem>> -> memref<128x128xf32, #tpu.memory_space<vmem>>
    %dma_wait3A_138 = arith.constant 0 : i32
    %dma_wait3A_139 = tpu.memref_slice %arg7[%dma_wait3A_132, %dma_wait3A_138] : memref<2x128xi32, #tpu.memory_space<vmem>> -> memref<1x128xi32, #tpu.memory_space<vmem>>
    %dma_wait3A_140 = tpu.memref_squeeze %dma_wait3A_139 : memref<1x128xi32, #tpu.memory_space<vmem>> -> memref<128xi32, #tpu.memory_space<vmem>>
    %dma_wait3A_141 = arith.constant 0 : i32
    %dma_wait3A_142 = arith.constant 0 : i32
    %dma_wait3A_143 = tpu.memref_slice %arg4[%dma_wait3A_141, %dma_wait3A_142] : memref<100000x128xf32, #tpu.memory_space<hbm>> -> memref<100000x128xf32, #tpu.memory_space<hbm>>
    tpu.wait_indirect_dma semaphore(%arg11 : memref<!tpu.dma_semaphore, #tpu.memory_space<semaphore_mem>>) src(%dma_wait3A_143 : memref<100000x128xf32, #tpu.memory_space<hbm>>) dst(%dma_wait3A_137 : memref<128x128xf32, #tpu.memory_space<vmem>>)
    %add3A_144 = arith.constant 128 : i32
    %add3A_145 = arith.addi %mul3A_2, %add3A_144 : i32
    %dma_start3A_146 = arith.constant 1 : i32
    %dma_start3A_147 = arith.constant 0 : i32
    %dma_start3A_148 = arith.constant 0 : i32
    %dma_start3A_149 = tpu.memref_slice %arg9[%dma_start3A_146, %dma_start3A_147, %dma_start3A_148] : memref<2x128x128xf32, #tpu.memory_space<vmem>> -> memref<1x128x128xf32, #tpu.memory_space<vmem>>
    %dma_start3A_150 = tpu.memref_squeeze %dma_start3A_149 : memref<1x128x128xf32, #tpu.memory_space<vmem>> -> memref<128x128xf32, #tpu.memory_space<vmem>>
    %dma_start3A_151 = arith.constant 0 : i32
    %dma_start3A_152 = tpu.memref_slice %arg6[%add3A_145, %dma_start3A_151] : memref<8192x128xf32, #tpu.memory_space<hbm>> -> memref<128x128xf32, #tpu.memory_space<hbm>>
    %dma_start3A_153 = arith.constant 0 : i32
    %dma_start3A_154 = tpu.memref_slice %arg6[%add3A_145, %dma_start3A_153] : memref<8192x128xf32, #tpu.memory_space<hbm>> -> memref<128x128xf32, #tpu.memory_space<hbm>>
    %dma_start3A_155 = arith.constant 0 : i32
    %dma_start3A_156 = arith.constant 0 : i32
    %dma_start3A_157 = tpu.memref_slice %arg9[%dma_start3A_146, %dma_start3A_155, %dma_start3A_156] : memref<2x128x128xf32, #tpu.memory_space<vmem>> -> memref<1x128x128xf32, #tpu.memory_space<vmem>>
    %dma_start3A_158 = tpu.memref_squeeze %dma_start3A_157 : memref<1x128x128xf32, #tpu.memory_space<vmem>> -> memref<128x128xf32, #tpu.memory_space<vmem>>
    tpu.enqueue_dma source(%dma_start3A_158 : memref<128x128xf32, #tpu.memory_space<vmem>>) target(%dma_start3A_154 : memref<128x128xf32, #tpu.memory_space<hbm>>) target_semaphore(%arg13 : memref<!tpu.dma_semaphore, #tpu.memory_space<semaphore_mem>>)
    %dma_wait3A_159 = arith.constant 0 : i32
    %dma_wait3A_160 = arith.constant 0 : i32
    %dma_wait3A_161 = arith.constant 0 : i32
    %dma_wait3A_162 = tpu.memref_slice %arg8[%dma_wait3A_159, %dma_wait3A_160, %dma_wait3A_161] : memref<2x128x128xf32, #tpu.memory_space<vmem>> -> memref<1x128x128xf32, #tpu.memory_space<vmem>>
    %dma_wait3A_163 = tpu.memref_squeeze %dma_wait3A_162 : memref<1x128x128xf32, #tpu.memory_space<vmem>> -> memref<128x128xf32, #tpu.memory_space<vmem>>
    %dma_wait3A_164 = arith.constant 0 : i32
    %dma_wait3A_165 = tpu.memref_slice %arg5[%add3A_64, %dma_wait3A_164] : memref<8192x128xf32, #tpu.memory_space<hbm>> -> memref<128x128xf32, #tpu.memory_space<hbm>>
    %dma_wait3A_166 = arith.constant 0 : i32
    %dma_wait3A_167 = tpu.memref_slice %arg5[%add3A_64, %dma_wait3A_166] : memref<8192x128xf32, #tpu.memory_space<hbm>> -> memref<128x128xf32, #tpu.memory_space<hbm>>
    %dma_wait3A_168 = arith.constant 0 : i32
    %dma_wait3A_169 = arith.constant 0 : i32
    %dma_wait3A_170 = tpu.memref_slice %arg8[%dma_wait3A_159, %dma_wait3A_168, %dma_wait3A_169] : memref<2x128x128xf32, #tpu.memory_space<vmem>> -> memref<1x128x128xf32, #tpu.memory_space<vmem>>
    %dma_wait3A_171 = tpu.memref_squeeze %dma_wait3A_170 : memref<1x128x128xf32, #tpu.memory_space<vmem>> -> memref<128x128xf32, #tpu.memory_space<vmem>>
    tpu.wait_dma2 semaphore(%arg12 : memref<!tpu.dma_semaphore, #tpu.memory_space<semaphore_mem>>) src(%dma_wait3A_171 : memref<128x128xf32, #tpu.memory_space<vmem>>) dst(%dma_wait3A_167 : memref<128x128xf32, #tpu.memory_space<hbm>>)
    %dma_wait3A_172 = arith.constant 1 : i32
    %dma_wait3A_173 = arith.constant 0 : i32
    %dma_wait3A_174 = arith.constant 0 : i32
    %dma_wait3A_175 = tpu.memref_slice %arg8[%dma_wait3A_172, %dma_wait3A_173, %dma_wait3A_174] : memref<2x128x128xf32, #tpu.memory_space<vmem>> -> memref<1x128x128xf32, #tpu.memory_space<vmem>>
    %dma_wait3A_176 = tpu.memref_squeeze %dma_wait3A_175 : memref<1x128x128xf32, #tpu.memory_space<vmem>> -> memref<128x128xf32, #tpu.memory_space<vmem>>
    %dma_wait3A_177 = arith.constant 0 : i32
    %dma_wait3A_178 = tpu.memref_slice %arg5[%add3A_91, %dma_wait3A_177] : memref<8192x128xf32, #tpu.memory_space<hbm>> -> memref<128x128xf32, #tpu.memory_space<hbm>>
    %dma_wait3A_179 = arith.constant 0 : i32
    %dma_wait3A_180 = tpu.memref_slice %arg5[%add3A_91, %dma_wait3A_179] : memref<8192x128xf32, #tpu.memory_space<hbm>> -> memref<128x128xf32, #tpu.memory_space<hbm>>
    %dma_wait3A_181 = arith.constant 0 : i32
    %dma_wait3A_182 = arith.constant 0 : i32
    %dma_wait3A_183 = tpu.memref_slice %arg8[%dma_wait3A_172, %dma_wait3A_181, %dma_wait3A_182] : memref<2x128x128xf32, #tpu.memory_space<vmem>> -> memref<1x128x128xf32, #tpu.memory_space<vmem>>
    %dma_wait3A_184 = tpu.memref_squeeze %dma_wait3A_183 : memref<1x128x128xf32, #tpu.memory_space<vmem>> -> memref<128x128xf32, #tpu.memory_space<vmem>>
    tpu.wait_dma2 semaphore(%arg12 : memref<!tpu.dma_semaphore, #tpu.memory_space<semaphore_mem>>) src(%dma_wait3A_184 : memref<128x128xf32, #tpu.memory_space<vmem>>) dst(%dma_wait3A_180 : memref<128x128xf32, #tpu.memory_space<hbm>>)
    %dma_wait3A_185 = arith.constant 0 : i32
    %dma_wait3A_186 = arith.constant 0 : i32
    %dma_wait3A_187 = arith.constant 0 : i32
    %dma_wait3A_188 = tpu.memref_slice %arg9[%dma_wait3A_185, %dma_wait3A_186, %dma_wait3A_187] : memref<2x128x128xf32, #tpu.memory_space<vmem>> -> memref<1x128x128xf32, #tpu.memory_space<vmem>>
    %dma_wait3A_189 = tpu.memref_squeeze %dma_wait3A_188 : memref<1x128x128xf32, #tpu.memory_space<vmem>> -> memref<128x128xf32, #tpu.memory_space<vmem>>
    %dma_wait3A_190 = arith.constant 0 : i32
    %dma_wait3A_191 = tpu.memref_slice %arg6[%add3A_118, %dma_wait3A_190] : memref<8192x128xf32, #tpu.memory_space<hbm>> -> memref<128x128xf32, #tpu.memory_space<hbm>>
    %dma_wait3A_192 = arith.constant 0 : i32
    %dma_wait3A_193 = tpu.memref_slice %arg6[%add3A_118, %dma_wait3A_192] : memref<8192x128xf32, #tpu.memory_space<hbm>> -> memref<128x128xf32, #tpu.memory_space<hbm>>
    %dma_wait3A_194 = arith.constant 0 : i32
    %dma_wait3A_195 = arith.constant 0 : i32
    %dma_wait3A_196 = tpu.memref_slice %arg9[%dma_wait3A_185, %dma_wait3A_194, %dma_wait3A_195] : memref<2x128x128xf32, #tpu.memory_space<vmem>> -> memref<1x128x128xf32, #tpu.memory_space<vmem>>
    %dma_wait3A_197 = tpu.memref_squeeze %dma_wait3A_196 : memref<1x128x128xf32, #tpu.memory_space<vmem>> -> memref<128x128xf32, #tpu.memory_space<vmem>>
    tpu.wait_dma2 semaphore(%arg13 : memref<!tpu.dma_semaphore, #tpu.memory_space<semaphore_mem>>) src(%dma_wait3A_197 : memref<128x128xf32, #tpu.memory_space<vmem>>) dst(%dma_wait3A_193 : memref<128x128xf32, #tpu.memory_space<hbm>>)
    %dma_wait3A_198 = arith.constant 1 : i32
    %dma_wait3A_199 = arith.constant 0 : i32
    %dma_wait3A_200 = arith.constant 0 : i32
    %dma_wait3A_201 = tpu.memref_slice %arg9[%dma_wait3A_198, %dma_wait3A_199, %dma_wait3A_200] : memref<2x128x128xf32, #tpu.memory_space<vmem>> -> memref<1x128x128xf32, #tpu.memory_space<vmem>>
    %dma_wait3A_202 = tpu.memref_squeeze %dma_wait3A_201 : memref<1x128x128xf32, #tpu.memory_space<vmem>> -> memref<128x128xf32, #tpu.memory_space<vmem>>
    %dma_wait3A_203 = arith.constant 0 : i32
    %dma_wait3A_204 = tpu.memref_slice %arg6[%add3A_145, %dma_wait3A_203] : memref<8192x128xf32, #tpu.memory_space<hbm>> -> memref<128x128xf32, #tpu.memory_space<hbm>>
    %dma_wait3A_205 = arith.constant 0 : i32
    %dma_wait3A_206 = tpu.memref_slice %arg6[%add3A_145, %dma_wait3A_205] : memref<8192x128xf32, #tpu.memory_space<hbm>> -> memref<128x128xf32, #tpu.memory_space<hbm>>
    %dma_wait3A_207 = arith.constant 0 : i32
    %dma_wait3A_208 = arith.constant 0 : i32
    %dma_wait3A_209 = tpu.memref_slice %arg9[%dma_wait3A_198, %dma_wait3A_207, %dma_wait3A_208] : memref<2x128x128xf32, #tpu.memory_space<vmem>> -> memref<1x128x128xf32, #tpu.memory_space<vmem>>
    %dma_wait3A_210 = tpu.memref_squeeze %dma_wait3A_209 : memref<1x128x128xf32, #tpu.memory_space<vmem>> -> memref<128x128xf32, #tpu.memory_space<vmem>>
    tpu.wait_dma2 semaphore(%arg13 : memref<!tpu.dma_semaphore, #tpu.memory_space<semaphore_mem>>) src(%dma_wait3A_210 : memref<128x128xf32, #tpu.memory_space<vmem>>) dst(%dma_wait3A_206 : memref<128x128xf32, #tpu.memory_space<hbm>>)
    return
  }
}

module attributes {stable_mosaic.version = 14 : i64} {
  func.func @_tc_body(%arg0: i32, %arg1: memref<50x1xf32, #tpu.memory_space<vmem>>, %arg2: memref<2048x128xf32, #tpu.memory_space<vmem>>, %arg3: memref<2048x128xf32, #tpu.memory_space<vmem>>, %arg4: memref<1000x128xbf16, #tpu.memory_space<vmem>>, %arg5: memref<50x128xbf16, #tpu.memory_space<vmem>>, %arg6: memref<50x1000xbf16, #tpu.memory_space<vmem>>, %arg7: memref<1000x2048xf32, #tpu.memory_space<vmem>>, %arg8: memref<50x1xf32, #tpu.memory_space<vmem>>) attributes {dimension_semantics = [#tpu.dimension_semantics<arbitrary>], iteration_bounds = array<i64: 4>, scalar_prefetch = 0 : i64, scratch_operands = 1 : i64, tpu.core_type = #tpu.core_type<tc>, window_params = [{pipeline_mode = #tpu.pipeline_mode<synchronous>, transform_indices = @transform_0, window_bounds = array<i64: 50, 1>}, {transform_indices = @transform_1, window_bounds = array<i64: 2048, 128>}, {transform_indices = @transform_2, window_bounds = array<i64: 2048, 128>}, {pipeline_mode = #tpu.pipeline_mode<synchronous>, transform_indices = @transform_3, window_bounds = array<i64: 1000, 128>}, {pipeline_mode = #tpu.pipeline_mode<synchronous>, transform_indices = @transform_4, window_bounds = array<i64: 50, 128>}, {pipeline_mode = #tpu.pipeline_mode<synchronous>, transform_indices = @transform_5, window_bounds = array<i64: 50, 1000>}, {transform_indices = @transform_6, window_bounds = array<i64: 1000, 2048>}]} {
    %get3A = arith.constant 0 : index
    %get3A_0 = arith.constant 0 : index
    %get3A_1 = vector.load %arg2[%get3A, %get3A_0] : memref<2048x128xf32, #tpu.memory_space<vmem>>, vector<2048x128xf32>
    %convert_element_type3A = arith.truncf %get3A_1 : vector<2048x128xf32> to vector<2048x128xbf16>
    %get3A_2 = arith.constant 0 : index
    %get3A_3 = arith.constant 0 : index
    %get3A_4 = vector.load %arg3[%get3A_2, %get3A_3] : memref<2048x128xf32, #tpu.memory_space<vmem>>, vector<2048x128xf32>
    %convert_element_type3A_5 = arith.truncf %get3A_4 : vector<2048x128xf32> to vector<2048x128xbf16>
    %get3A_6 = arith.constant 0 : index
    %get3A_7 = arith.constant 0 : index
    %get3A_8 = vector.load %arg4[%get3A_6, %get3A_7] : memref<1000x128xbf16, #tpu.memory_space<vmem>>, vector<1000x128xbf16>
    %dot_general3A = arith.constant dense<0.000000e+00> : vector<1000x2048xf32>
    %dot_general3A_9 = tpu.matmul %get3A_8, %convert_element_type3A, %dot_general3A {dimension_numbers = #tpu.dot_dimension_numbers<[1], [1], [0], [0], [0, 0, 1, 0], [], []>, transpose_lhs_hint = false} : vector<1000x128xbf16>, vector<2048x128xbf16>, vector<1000x2048xf32> -> vector<1000x2048xf32>
    %exp3A = math.exp %dot_general3A_9 : vector<1000x2048xf32>
    %convert_element_type3A_10 = arith.truncf %exp3A : vector<1000x2048xf32> to vector<1000x2048xbf16>
    %get3A_11 = arith.constant 0 : index
    %get3A_12 = arith.constant 0 : index
    %get3A_13 = vector.load %arg6[%get3A_11, %get3A_12] : memref<50x1000xbf16, #tpu.memory_space<vmem>>, vector<50x1000xbf16>
    %dot_general3A_14 = arith.constant dense<0.000000e+00> : vector<50x2048xf32>
    %dot_general3A_15 = tpu.matmul %get3A_13, %convert_element_type3A_10, %dot_general3A_14 {dimension_numbers = #tpu.dot_dimension_numbers<[1], [0], [0], [1], [0, 0, 1, 1], [], []>, transpose_lhs_hint = false} : vector<50x1000xbf16>, vector<1000x2048xbf16>, vector<50x2048xf32> -> vector<50x2048xf32>
    %log3A = math.log %dot_general3A_15 : vector<50x2048xf32>
    %get3A_16 = arith.constant 0 : index
    %get3A_17 = arith.constant 0 : index
    %get3A_18 = vector.load %arg5[%get3A_16, %get3A_17] : memref<50x128xbf16, #tpu.memory_space<vmem>>, vector<50x128xbf16>
    %dot_general3A_19 = arith.constant dense<0.000000e+00> : vector<50x2048xf32>
    %dot_general3A_20 = tpu.matmul %get3A_18, %convert_element_type3A_5, %dot_general3A_19 {dimension_numbers = #tpu.dot_dimension_numbers<[1], [1], [0], [0], [0, 0, 1, 0], [], []>, transpose_lhs_hint = false} : vector<50x128xbf16>, vector<2048x128xbf16>, vector<50x2048xf32> -> vector<50x2048xf32>
    %get3A_21 = arith.constant 0 : index
    %get3A_22 = arith.constant 0 : index
    %get3A_23 = vector.load %arg1[%get3A_21, %get3A_22] : memref<50x1xf32, #tpu.memory_space<vmem>>, vector<50x1xf32>
    %eq3A = arith.constant 0 : i32
    %eq3A_24 = arith.cmpi eq, %arg0, %eq3A : i32
    %convert_element_type3A_25 = arith.extui %eq3A_24 : i1 to i32
    %cond3A = arith.constant 0 : i32
    %cond3A_26 = arith.cmpi ne, %convert_element_type3A_25, %cond3A : i32
    scf.if %cond3A_26 {
      %iota3A = tpu.iota {dimensions = array<i32: 0>} : vector<2048x50xi32>
      %iota3A_43 = tpu.iota {dimensions = array<i32: 1>} : vector<2048x50xi32>
      %mul3A_44 = arith.constant 20 : i32
      %mul3A_45 = vector.broadcast %mul3A_44 : i32 to vector<2048x50xi32>
      %mul3A_46 = arith.muli %mul3A_45, %iota3A_43 : vector<2048x50xi32>
      %eq3A_47 = arith.cmpi eq, %iota3A, %mul3A_46 : vector<2048x50xi32>
      %jit3A = arith.constant 1.000000e+00 : f32
      %jit3A_48 = arith.constant 0.000000e+00 : f32
      %broadcast_in_dim3A = vector.broadcast %jit3A : f32 to vector<2048x50xf32>
      %broadcast_in_dim3A_49 = vector.broadcast %jit3A_48 : f32 to vector<2048x50xf32>
      %select_n3A = arith.select %eq3A_47, %broadcast_in_dim3A, %broadcast_in_dim3A_49 : vector<2048x50xi1>, vector<2048x50xf32>
      %add3A_50 = arith.constant 1.000000e+00 : f32
      %add3A_51 = vector.broadcast %add3A_50 : f32 to vector<50x1xf32>
      %add3A_52 = arith.addf %get3A_23, %add3A_51 : vector<50x1xf32>
      %mul3A_53 = vector.broadcast %add3A_52 : vector<50x1xf32> to vector<50x2048xf32>
      %mul3A_54 = arith.mulf %mul3A_53, %log3A : vector<50x2048xf32>
      %add3A_55 = arith.addf %dot_general3A_20, %mul3A_54 : vector<50x2048xf32>
      %dot_general3A_56 = arith.constant dense<0.000000e+00> : vector<50x50xf32>
      %dot_general3A_57 = tpu.matmul %add3A_55, %select_n3A, %dot_general3A_56 {dimension_numbers = #tpu.dot_dimension_numbers<[1], [0], [0], [1], [0, 0, 1, 1], [], []>, transpose_lhs_hint = false} : vector<50x2048xf32>, vector<2048x50xf32>, vector<50x50xf32> -> vector<50x50xf32>
      %reduce_max3A = arith.constant dense<0xFF800000> : vector<50xf32>
      %reduce_max3A_58 = vector.multi_reduction <maximumf>, %dot_general3A_57, %reduce_max3A [1] : vector<50x50xf32> to vector<50xf32>
      %broadcast_in_dim3A_59 = vector.shape_cast %reduce_max3A_58 : vector<50xf32> to vector<50x1xf32>
      %sub3A_60 = vector.broadcast %broadcast_in_dim3A_59 : vector<50x1xf32> to vector<50x50xf32>
      %sub3A_61 = arith.subf %dot_general3A_57, %sub3A_60 : vector<50x50xf32>
      %exp3A_62 = math.exp %sub3A_61 : vector<50x50xf32>
      %reduce_sum3A = arith.constant dense<0.000000e+00> : vector<50xf32>
      %reduce_sum3A_63 = vector.multi_reduction <add>, %exp3A_62, %reduce_sum3A [1] : vector<50x50xf32> to vector<50xf32>
      %broadcast_in_dim3A_64 = vector.shape_cast %reduce_sum3A_63 : vector<50xf32> to vector<50x1xf32>
      %log3A_65 = math.log %broadcast_in_dim3A_64 : vector<50x1xf32>
      %add3A_66 = arith.addf %broadcast_in_dim3A_59, %log3A_65 : vector<50x1xf32>
      %swap3A_67 = arith.constant 0 : index
      %swap3A_68 = arith.constant 0 : index
      %swap3A_69 = vector.load %arg8[%swap3A_67, %swap3A_68] : memref<50x1xf32, #tpu.memory_space<vmem>>, vector<50x1xf32>
      tpu.vector_store %arg8[%swap3A_67, %swap3A_68], %add3A_66 {strides = array<i32>} : memref<50x1xf32, #tpu.memory_space<vmem>>, vector<50x1xf32>,
    } else {
    }
    %mul3A = vector.broadcast %get3A_23 : vector<50x1xf32> to vector<50x2048xf32>
    %mul3A_27 = arith.mulf %mul3A, %log3A : vector<50x2048xf32>
    %add3A = arith.addf %dot_general3A_20, %mul3A_27 : vector<50x2048xf32>
    %get3A_28 = arith.constant 0 : index
    %get3A_29 = arith.constant 0 : index
    %get3A_30 = vector.load %arg8[%get3A_28, %get3A_29] : memref<50x1xf32, #tpu.memory_space<vmem>>, vector<50x1xf32>
    %sub3A = vector.broadcast %get3A_30 : vector<50x1xf32> to vector<50x2048xf32>
    %sub3A_31 = arith.subf %add3A, %sub3A : vector<50x2048xf32>
    %convert_element_type3A_32 = arith.truncf %sub3A_31 : vector<50x2048xf32> to vector<50x2048xbf16>
    %get3A_33 = arith.constant 0 : index
    %get3A_34 = arith.constant 0 : index
    %get3A_35 = vector.load %arg6[%get3A_33, %get3A_34] : memref<50x1000xbf16, #tpu.memory_space<vmem>>, vector<50x1000xbf16>
    %dot_general3A_36 = arith.constant dense<0.000000e+00> : vector<1000x2048xf32>
    %dot_general3A_37 = tpu.matmul %get3A_35, %convert_element_type3A_32, %dot_general3A_36 {dimension_numbers = #tpu.dot_dimension_numbers<[0], [0], [1], [1], [0, 1, 1, 1], [], []>, transpose_lhs_hint = false} : vector<50x1000xbf16>, vector<50x2048xbf16>, vector<1000x2048xf32> -> vector<1000x2048xf32>
    %convert_element_type3A_38 = arith.extf %convert_element_type3A_10 : vector<1000x2048xbf16> to vector<1000x2048xf32>
    %log3A_39 = math.log %convert_element_type3A_38 : vector<1000x2048xf32>
    %add3A_40 = arith.addf %log3A_39, %dot_general3A_37 : vector<1000x2048xf32>
    %swap3A = arith.constant 0 : index
    %swap3A_41 = arith.constant 0 : index
    %swap3A_42 = vector.load %arg7[%swap3A, %swap3A_41] : memref<1000x2048xf32, #tpu.memory_space<vmem>>, vector<1000x2048xf32>
    tpu.vector_store %arg7[%swap3A, %swap3A_41], %add3A_40 {strides = array<i32>} : memref<1000x2048xf32, #tpu.memory_space<vmem>>, vector<1000x2048xf32>,
    return
  }
  func.func @transform_0(%arg0: i32) -> (i32, i32) {
    %c0_i32 = arith.constant 0 : i32
    %c0_i32_0 = arith.constant 0 : i32
    %c0_i32_1 = arith.constant 0 : i32
    return %c0_i32, %c0_i32_0 : i32, i32
  }
  func.func @transform_1(%arg0: i32) -> (i32, i32) {
    %c0_i32 = arith.constant 0 : i32
    %c0_i32_0 = arith.constant 0 : i32
    return %arg0, %c0_i32 : i32, i32
  }
  func.func @transform_2(%arg0: i32) -> (i32, i32) {
    %c0_i32 = arith.constant 0 : i32
    %c0_i32_0 = arith.constant 0 : i32
    return %arg0, %c0_i32 : i32, i32
  }
  func.func @transform_3(%arg0: i32) -> (i32, i32) {
    %c0_i32 = arith.constant 0 : i32
    %c0_i32_0 = arith.constant 0 : i32
    %c0_i32_1 = arith.constant 0 : i32
    return %c0_i32, %c0_i32_0 : i32, i32
  }
  func.func @transform_4(%arg0: i32) -> (i32, i32) {
    %c0_i32 = arith.constant 0 : i32
    %c0_i32_0 = arith.constant 0 : i32
    %c0_i32_1 = arith.constant 0 : i32
    return %c0_i32, %c0_i32_0 : i32, i32
  }
  func.func @transform_5(%arg0: i32) -> (i32, i32) {
    %c0_i32 = arith.constant 0 : i32
    %c0_i32_0 = arith.constant 0 : i32
    %c0_i32_1 = arith.constant 0 : i32
    return %c0_i32, %c0_i32_0 : i32, i32
  }
  func.func @transform_6(%arg0: i32) -> (i32, i32) {
    %c0_i32 = arith.constant 0 : i32
    %c0_i32_0 = arith.constant 0 : i32
    return %c0_i32, %arg0 : i32, i32
  }
}

</mosaic_0001>

<sc_bundles>
// kernel: kernel.4.cloned.1.call-start
scs
__scs_entry_jumppad:
0x0: {  	(pc) =	sbr.rel $0x88, $3  }
0x1: {  	(tag) =	ssettag $0x0;
	lr =	simm.s32 $0x1  }
0x2: {  	[smem:$0x3F9B] =	sst lr;
	_ =	strace $0xD0000000  }
0x3: {  	_ = 	snop  }
0x4: {  	_ = 	snop  }
0x5: {  	_ = 	snop  }
0x6: {  	_ = 	snop  }
0x7: {  	_ = 	snop  }
__scs_overlays_trampoline_lowered:
0x8: {  	[smem:$0x3FAA] =	sst s0  }
0x9: {  	[smem:$0x3FAB] =	sst s1  }
0xa: {  	[smem:$0x3FAC] =	sst s2  }
0xb: {  	[smem:$0x3FAD] =	sst s3  }
0xc: {  	[smem:$0x3FAE] =	sst s4  }
0xd: {  	[smem:$0x3FAF] =	sst s5  }
0xe: {  	[smem:$0x3FB0] =	sst s6  }
0xf: {  	[smem:$0x3FB1] =	sst s7  }
0x10: {  	[smem:$0x3FB2] =	sst s8  }
0x11: {  	[smem:$0x3FB3] =	sst s9;
	s0 =	simm.s32 @!p0 $0x0  }
0x12: {  	s1 =	sld [smem:$0x3F99];
	s0 =	simm.s32 @p0 $0x1  }
0x13: {  	[smem:$0x3FB4] =	sst s0;
	s0 =	simm.s32 @!p1 $0x0  }
0x14: {  	s2 =	sld [smem:$0x3F98];
	s0 =	simm.s32 @p1 $0x1  }
0x15: {  	[smem:$0x3FB5] =	sst s0;
	s0 =	simm.s32 @!p2 $0x0  }
0x16: {  	s3 =	sld [smem:$0x3FDB];
	s0 =	simm.s32 @p2 $0x1  }
0x17: {  	s4 =	simm.s32 $0x1BF5;
	[smem:$0x3FB7] =	sst s0  }
0x18: {  	s0 =	sld [smem:$0x3F9A];
	_ =	swait.ge [sflag:s4], $0x0  }
0x19: {  	s7 =	sld [smem:$0x3F9B]  }
0x1a: {  	s8 =	sadd.s32 $0xFFFFE003, lr  }
0x1b: {  	s9 =	sadd.s32 $0xFFFFFEF7, lr;
	s5 =	simm.s32 $0xFFFFFFFF;
	p2 =	slt.u32 s8, $0xFFFFF086  }
0x1c: {  	p1 =	slt.u32 s9, $0xF7A;
	s5 =	simm.s32 @!p2 $0x0  }
0x1d: {  	s5 =	simm.s32 @p1 $0x1;
	p0 =	seq.s32 s7, s2  }
0x1e: {  	s7 =	smul.u32 @!p0 $0xF7A, s2;
	p2 =	seq.s32 @!p0 s5, $0x0  }
0x1f: {  	s9 =	smul.u32 $0xF7A, s1;
	s8 =	simm.s32 @!p0 $0x1BF5;
	p2 =	por !p2, p0  }
0x20: {  	[sflag:s8] =	ssyncset.s32 @!p0 $0xFFFFF086;
	s6 =	sadd.s32 @!p0 s3, s7;
	s7 =	simm.s32 @!p0 $0x108  }
0x21: {  	s3 =	sadd.s32 s3, s9;
	s6 =	sadd.s32 @!p0 $0x88, s6;
	s7 =	simm.s32 @p2 $0x1082  }
0x22: {  	[simem:s7], [sflag:s8] =	dma.local @!p0 [hbm:s6], $0xF7A  }
0x23: {  	s9 =	sor.u32 $0xD0000000, s2;
	s6 =	simm.s32 $0x108;
	_ =	swait.ge @!p0 [sflag:s8], $0x0  }
0x24: {  	s3 =	sadd.s32 $0x88, s3;
	s6 =	simm.s32 @!p1 $0x1082;
	[sflag:s4] =	ssyncset.s32 $0xFFFFF086  }
0x25: {  	[simem:s6], [sflag:s4] =	dma.local [hbm:s3], $0xF7A  }
0x26: {  	[smem:$0x3F9B] =	sst s1;
	(tag) =	ssettag s2;
	_ =	strace s9  }
0x27: {  	s1 =	sld [smem:$0x3FAB]  }
0x28: {  	s2 =	sld [smem:$0x3FAC]  }
0x29: {  	s4 =	sld [smem:$0x3FAE]  }
0x2a: {  	p0 =	seq.s32 s5, $0x0;
	s5 =	sld [smem:$0x3FAF]  }
0x2b: {  	s6 =	sld [smem:$0x3FB0]  }
0x2c: {  	s7 =	sld [smem:$0x3FB1]  }
0x2d: {  	s3 =	simm.s32 $0x108;
	s8 =	sld [smem:$0x3FB2]  }
0x2e: {  	s3 =	simm.s32 @!p0 $0x1082;
	s9 =	sld [smem:$0x3FB3]  }
0x2f: {  	lr =	sadd.s32 s0, s3;
	s0 =	sld [smem:$0x3FAA]  }
0x30: {  	s3 =	sld [smem:$0x3FAD]  }
0x31: {  	[smem:$0x3FB6] =	sst s10  }
0x32: {  	s10 =	sld [smem:$0x3FB4];
	_ =	sdelay $0x3  }
0x33: {  	p0 =	seq.s32 s10, $0x1;
	s10 =	sld [smem:$0x3FB6];
	_ =	sdelay $0x3  }
0x34: {  	[smem:$0x3FB6] =	sst s10  }
0x35: {  	s10 =	sld [smem:$0x3FB5];
	_ =	sdelay $0x3  }
0x36: {  	p1 =	seq.s32 s10, $0x1;
	s10 =	sld [smem:$0x3FB6];
	_ =	sdelay $0x3  }
0x37: {  	[smem:$0x3FB6] =	sst s10  }
0x38: {  	s10 =	sld [smem:$0x3FB7]  }
0x39: {  	_ = 	snop;
	(pc) =	sbr.ind lr, $3  }
0x3a: {  	_ = 	snop  }
0x3b: {  	_ = 	snop  }
0x3c: {  	p2 =	seq.s32 s10, $0x1;
	s10 =	sld [smem:$0x3FB6]  }
0x3d: {  	_ =	shalt  }
0x3e: {  	_ =	shalt  }
0x3f: {  	_ =	shalt  }
0x40: {  	_ =	shalt  }
0x41: {  	_ =	shalt  }
0x42: {  	_ =	shalt  }
0x43: {  	_ =	shalt  }
0x44: {  	_ =	shalt  }
0x45: {  	_ =	shalt  }
0x46: {  	_ =	shalt  }
0x47: {  	_ =	shalt  }
0x48: {  	_ =	shalt  }
0x49: {  	_ =	shalt  }
0x4a: {  	_ =	shalt  }
0x4b: {  	_ =	shalt  }
0x4c: {  	_ =	shalt  }
0x4d: {  	_ =	shalt  }
0x4e: {  	_ =	shalt  }
0x4f: {  	_ =	shalt  }
0x50: {  	_ =	shalt  }
0x51: {  	_ =	shalt  }
0x52: {  	_ =	shalt  }
0x53: {  	_ =	shalt  }
0x54: {  	_ =	shalt  }
0x55: {  	_ =	shalt  }
0x56: {  	_ =	shalt  }
0x57: {  	_ =	shalt  }
0x58: {  	_ =	shalt  }
0x59: {  	_ =	shalt  }
0x5a: {  	_ =	shalt  }
0x5b: {  	_ =	shalt  }
0x5c: {  	_ =	shalt  }
0x5d: {  	_ =	shalt  }
0x5e: {  	_ =	shalt  }
0x5f: {  	_ =	shalt  }
0x60: {  	_ =	shalt  }
0x61: {  	_ =	shalt  }
0x62: {  	_ =	shalt  }
0x63: {  	_ =	shalt  }
0x64: {  	_ =	shalt  }
0x65: {  	_ =	shalt  }
0x66: {  	_ =	shalt  }
0x67: {  	_ =	shalt  }
0x68: {  	_ =	shalt  }
0x69: {  	_ =	shalt  }
0x6a: {  	_ =	shalt  }
0x6b: {  	_ =	shalt  }
0x6c: {  	_ =	shalt  }
0x6d: {  	_ =	shalt  }
0x6e: {  	_ =	shalt  }
0x6f: {  	_ =	shalt  }
0x70: {  	_ =	shalt  }
0x71: {  	_ =	shalt  }
0x72: {  	_ =	shalt  }
0x73: {  	_ =	shalt  }
0x74: {  	_ =	shalt  }
0x75: {  	_ =	shalt  }
0x76: {  	_ =	shalt  }
0x77: {  	_ =	shalt  }
0x78: {  	_ =	shalt  }
0x79: {  	_ =	shalt  }
0x7a: {  	_ =	shalt  }
0x7b: {  	_ =	shalt  }
0x7c: {  	_ =	shalt  }
0x7d: {  	_ =	shalt  }
0x7e: {  	_ =	shalt  }
0x7f: {  	_ =	shalt  }
0x80: {  	_ =	shalt  }
0x81: {  	_ =	shalt  }
0x82: {  	_ =	shalt  }
0x83: {  	_ =	shalt  }
0x84: {  	_ =	shalt  }
0x85: {  	_ =	shalt  }
0x86: {  	_ =	shalt  }
0x87: {  	_ =	shalt  }
.Lfunc_end0:
.L_simem_size_0:
called_computation_lowered:
.L_overlay_start_0:
0x88: {  	s2 =	sld [smem:$0x3FD9]  }
0x89: {  	s3 =	sld [smem:$0x3FFE];
	_ =	sdelay $0x1  }
0x8a: {  	s1 =	srdreg.scid  }
0x8b: {  	s0 =	sand.u32 $0x1, s1  }
0x8c: {  	s17 =	sshll.u32 s0, $0xA;
	s2 =	sadd.s32 s3, s2  }
0x8d: {  	s2 =	sadd.s32 s2, s17  }
0x8e: {  	[smem:$0x3FC2] =	sst s2  }
0x8f: {  	_ = 	snop  }
0x90: {  	s2 =	sld [smem:$0x3FC9]  }
0x91: {  	s18 =	sld [smem:$0x3FC8]  }
0x92: {  	s4 =	sld [smem:$0x3FC6]  }
0x93: {  	s5 =	sld [smem:$0x3FD0];
	(tm) =	ssettm $0x1  }
0x94: {  	s6 =	sld [smem:$0x3FFB];
	_ =	sdelay $0x3  }
0x95: {  	_ =	strace s6  }
0x96: {  	s6 =	sld [smem:$0x3FFC];
	_ =	sdelay $0x3  }
0x97: {  	_ =	strace s6  }
0x98: {  	s6 =	sld [smem:$0x3FFD];
	_ =	sdelay $0x3  }
0x99: {  	_ =	strace s6  }
0x9a: {  	_ =	strace $0x8FFFFFFF  }
0x9b: {  	s19 =	sld [smem:$0x3FDB];
	_ =	sdelay $0x1  }
0x9c: {  	s7 =	simm.s32 $_scs_section_size  }
0x9d: {  	s8 =	simm.s32 $_size__tile_overlayer_lowered;
	s9 =	simm.s32 $_tile_overlayer_lowered  }
0x9e: {  	s22 =	simm.s32 $0x1BFF;
	s21 =	sshll.u32 s9, $0x1;
	s6 =	sadd.s32 s7, s19  }
0x9f: {  	s10 =	simm.s32 $0x0;
	s20 =	sshll.u32 s8, $0x1;
	s8 =	sadd.s32 s21, s6  }
0xa0: {  	[timem:s10], [sflag:s22] =	dma.local [hbm:s8], s20  }
0xa1: {  	_ =	swait.ge [sflag:s22], s20  }
0xa2: {  	s7 =	ssub.s32 $0x0, s20;
	[sflag:s22] =	ssyncset.done $0x0  }
0xa3: {  	[sflag:s22] =	ssyncadd.s32 s7;
	_ =	sdelay $0x1  }
0xa4: {  	s23 =	simm.s32 $0x1B8B  }
0xa5: {  	_ =	swait.ge [sflag:s23], $0x1  }
0xa6: {  	[sflag:s23] =	ssyncset.done $0x0  }
0xa7: {  	s25 =	simm.s32 $0x1B8E;
	s24 =	sld [smem:$0x3FFE];
	[sflag:s23] =	ssyncadd.s32 $0xFFFFFFFF  }
0xa8: {  	s26 =	simm.s32 $execute0_lowered;
	[smem:$0x3FD2] =	sst s25  }
0xa9: {  	s8 =	sshll.u32 s26, $0x1;
	_ =	strace $0x80000046;
	[dreg:$0x1] =	wrdreg $0xFFFFFFFF  }
0xaa: {  	s28 =	simm.s32 $_size_execute0_lowered;
	s6 =	sadd.s32 s6, s8;
	[dreg:$0x0] =	wrdreg $0x0  }
0xab: {  	s8 =	sshll.u32 s28, $0x1;
	[dreg:$0x2] =	wrdreg s6  }
0xac: {  	[dreg:$0x3] =	wrdreg s8  }
0xad: {  	[dreg:$0x4] =	wrdreg $0xC0  }
0xae: {  	_ =	task [dreg:s10], $0x5FFFF  }
0xaf: {  	[dreg:$0x1] =	wrdreg $0xFFFFFFFF  }
0xb0: {  	[dreg:$0x0] =	wrdreg $0x60  }
0xb1: {  	[dreg:$0x2] =	wrdreg s2  }
0xb2: {  	[dreg:$0x3] =	wrdreg s18  }
0xb3: {  	[dreg:$0x4] =	wrdreg s4  }
0xb4: {  	[dreg:$0x5] =	wrdreg s5  }
0xb5: {  	[dreg:$0x6] =	wrdreg s24  }
0xb6: {  	[dreg:$0x7] =	wrdreg $0x9  }
0xb7: {  	_ =	task.clear_ibuf [dreg:s10], $0x8FFFF;
	_ =	strace $0x90000046  }
0xb8: {  	s29 =	simm.s32 $0x9;
	_ =	strace $0x80000048  }
0xb9: {  	_ =	swait.ge [sflag:s29], $0x1  }
0xba: {  	[sflag:s29] =	ssyncadd.s32 $0xFFFFFFFF  }
0xbb: {  	_ =	strace $0x90000048  }
0xbc: {  	_ =	sfence  }
0xbd: {  	s30 =	sld [smem:$0x0];
	_ =	sdelay $0x2  }
0xbe: {  	s31 =	sshll.u32 s1, $0xD;
	s1 =	sshrl.u32 s1, $0x2  }
0xbf: {  	s3 =	sand.u32 $0x4000, s31;
	s1 =	sadd.s32 s1, s30  }
0xc0: {  	s0 =	sor.u32 s3, s0;
	s1 =	sshll.u32 s1, $0x11  }
0xc1: {  	s0 =	sor.u32 s1, s0  }
0xc2: {  	s0 =	sadd.s32 $0x8F2B, s0  }
0xc3: {  	[sflag:s0] =	ssyncadd.remote.s32 $0x1  }
0xc4: {  	_ =	sfence.sel $0xFFFF  }
0xc5: {  	[dreg:$0x0] =	wrdreg $0xFFFFFFFF;
	(pc) =	sbr.abs _section_cstart, $3  }
0xc6: {  	[dreg:$0x1] =	wrdreg $0xFFFFFFFF  }
0xc7: {  	_ =	task.clear_ibuf [dreg:s10], $0x2FFFF;
	_ =	strace $0x9FFFFFFF  }
0xc8: {  	(tm) =	ssettm $0x7FFFFFFF  }
0xc9: {  	_ =	shalt  }
tec
execute0_lowered:
.L_overlay_start_1:
0x0: {  	(tag) =	ssettag $0x1  }
0x1: {  	s5 =	rddreg [dreg:$0x0]  }
0x2: {  	s1 =	rddreg [dreg:$0x1]  }
0x3: {  	s3 =	rddreg [dreg:$0x2]  }
0x4: {  	s14 =	rddreg [dreg:$0x3]  }
0x5: {  	s2 =	srdreg.scid;
	s0 =	stileid.u32  }
0x6: {  	s16 =	rddreg [dreg:$0x4];
	s19 =	sand.u32 $0x1, s2;
	s6 =	sshll.u32 s0, $0x1  }
0x7: {  	s4 =	simm.s32 $0x0;
	s2 =	rddreg [dreg:$0x5];
	s13 =	sor.u32 s19, s6  }
0x8: {  	[smem:$0x7FF] =	sst s4;
	s6 =	sshll.u32 s13, $0x5  }
0x9: {  	_ =	strace $0x80000047;
	s5 =	sadd.s32 s5, s6;
	s6 =	simm.s32 $0x5  }
0xa: {  	[tilespmem:s4], [sflag:$0x5] =	stream.linear.gather [hbm4b:s5+s4], $0x100, $0x38;
	[tilespmem:$0x10100] =	vst v63  }
0xb: {  	_ =	swait.ge [sflag:s6], $0x100  }
0xc: {  	[sflag:s6] =	ssyncset.done $0x0  }
0xd: {  	s7 =	simm.s32 $0x80;
	s8 =	simm.s32 $0x100;
	[sflag:s6] =	ssyncadd.s32 $0xFFFFFF00  }
0xe: {  	[tilespmem:s8], [sflag:$0x1] =	stream.indirect.gather [hbm4b:s1+s7], $0x80, s4, s7, $0xb8;
	[tilespmem:$0x10100] =	vst v63  }
0xf: {  	s9 =	simm.s32 $0x4100  }
0x10: {  	[tilespmem:s9], [sflag:$0x1] =	stream.indirect.gather [hbm4b:s1+s7], $0x80, s7, s7, $0xb8;
	[tilespmem:$0x10100] =	vst v63  }
0x11: {  	s10 =	simm.s32 $0x8100  }
0x12: {  	[tilespmem:s10], [sflag:$0x2] =	stream.indirect.gather [hbm4b:s3+s7], $0x80, s4, s7, $0xb8;
	[tilespmem:$0x10100] =	vst v63  }
0x13: {  	s11 =	simm.s32 $0xC100;
	s12 =	simm.s32 $0x1  }
0x14: {  	[tilespmem:s11], [sflag:$0x2] =	stream.indirect.gather [hbm4b:s3+s7], $0x80, s7, s7, $0xb8;
	[tilespmem:$0x10100] =	vst v63  }
0x15: {  	_ =	swait.ge [sflag:s12], $0x4000  }
0x16: {  	s17 =	sshll.u32 s13, $0xC;
	[sflag:s12] =	ssyncset.done $0x0  }
0x17: {  	s13 =	sadd.s32 s14, s17;
	[sflag:s12] =	ssyncadd.s32 $0xFFFFC000  }
0x18: {  	[hbm4b:s13+s4] =	stream.linear.scatter [tilespmem:s8], [sflag:$0x3], $0x4000, $0x38;
	[tilespmem:$0x10100] =	vst v63  }
0x19: {  	_ =	swait.ge [sflag:s12], $0x4000  }
0x1a: {  	s18 =	sor.u32 $0x800, s17;
	[sflag:s12] =	ssyncset.done $0x0  }
0x1b: {  	s15 =	simm.s32 $0x2;
	s14 =	sadd.s32 s14, s18;
	[sflag:s12] =	ssyncadd.s32 $0xFFFFC000  }
0x1c: {  	[hbm4b:s14+s4] =	stream.linear.scatter [tilespmem:s9], [sflag:$0x3], $0x4000, $0x38;
	[tilespmem:$0x10100] =	vst v63  }
0x1d: {  	_ =	swait.ge [sflag:s15], $0x4000  }
0x1e: {  	s20 =	sadd.s32 $0x1400, s16;
	[sflag:s15] =	ssyncset.done $0x0  }
0x1f: {  	s16 =	sadd.s32 s20, s17;
	[sflag:s15] =	ssyncadd.s32 $0xFFFFC000  }
0x20: {  	[hbm4b:s16+s4] =	stream.linear.scatter [tilespmem:s10], [sflag:$0x4], $0x4000, $0x38;
	[tilespmem:$0x10100] =	vst v63  }
0x21: {  	_ =	swait.ge [sflag:s15], $0x4000  }
0x22: {  	[sflag:s15] =	ssyncset.done $0x0  }
0x23: {  	s17 =	sadd.s32 s20, s18;
	s18 =	simm.s32 $0x3;
	[sflag:s15] =	ssyncadd.s32 $0xFFFFC000  }
0x24: {  	[hbm4b:s17+s4] =	stream.linear.scatter [tilespmem:s11], [sflag:$0x4], $0x4000, $0x38;
	[tilespmem:$0x10100] =	vst v63  }
0x25: {  	_ =	swait.ge [sflag:s18], $0x4000  }
0x26: {  	s31 =	ssub.s32 $0x2, s19;
	[sflag:s18] =	ssyncset.done $0x0  }
0x27: {  	s21 =	sshrl.u32 s31, $0x1;
	[sflag:s18] =	ssyncadd.s32 $0xFFFFC000  }
0x28: {  	s20 =	ssub.s32 s31, s21;
	_ =	swait.ge [sflag:s18], $0x4000  }
0x29: {  	s20 =	smax.u32 s20, $0x1;
	[sflag:s18] =	ssyncset.done $0x0  }
0x2a: {  	s19 =	simm.s32 $0x4;
	p0 =	sne.s32 s20, $0x1;
	[sflag:s18] =	ssyncadd.s32 $0xFFFFC000  }
.Ltmp0:
0x2b: {  	_ =	swait.ge [sflag:s19], $0x4000;
	(pc) =	sbr.rel @!p0 .LBB2_2-.Ltmp0, $4  }
0x2c: {  	[sflag:s19] =	ssyncset.done $0x0  }
0x2d: {  	[sflag:s19] =	ssyncadd.s32 $0xFFFFC000  }
0x2e: {  	_ =	swait.ge [sflag:s19], $0x4000  }
0x2f: {  	s20 =	sadd.s32 $0xFFFFFFFF, s20;
	[sflag:s19] =	ssyncset.done $0x0  }
.LBB2_1:
0x30: {  	p0 =	sne.s32 s20, $0x1;
	s20 =	sadd.s32 $0xFFFFFFFF, s20;
	[sflag:s19] =	ssyncadd.s32 $0xFFFFC000  }
0x31: {  	[tilespmem:s4], [sflag:$0x5] =	stream.linear.gather [hbm4b:s5+s4], $0x100, $0x38;
	[tilespmem:$0x10100] =	vst v63  }
0x32: {  	_ =	swait.ge [sflag:s6], $0x100  }
0x33: {  	[sflag:s6] =	ssyncset.done $0x0  }
0x34: {  	[sflag:s6] =	ssyncadd.s32 $0xFFFFFF00  }
0x35: {  	[tilespmem:s8], [sflag:$0x1] =	stream.indirect.gather [hbm4b:s1+s7], $0x80, s4, s7, $0xb8;
	[tilespmem:$0x10100] =	vst v63  }
0x36: {  	_ = 	snop  }
0x37: {  	[tilespmem:s9], [sflag:$0x1] =	stream.indirect.gather [hbm4b:s1+s7], $0x80, s7, s7, $0xb8;
	[tilespmem:$0x10100] =	vst v63  }
0x38: {  	_ = 	snop  }
0x39: {  	[tilespmem:s10], [sflag:$0x2] =	stream.indirect.gather [hbm4b:s3+s7], $0x80, s4, s7, $0xb8;
	[tilespmem:$0x10100] =	vst v63  }
0x3a: {  	_ = 	snop  }
0x3b: {  	[tilespmem:s11], [sflag:$0x2] =	stream.indirect.gather [hbm4b:s3+s7], $0x80, s7, s7, $0xb8;
	[tilespmem:$0x10100] =	vst v63  }
0x3c: {  	_ =	swait.ge [sflag:s12], $0x4000  }
0x3d: {  	[sflag:s12] =	ssyncset.done $0x0  }
0x3e: {  	[sflag:s12] =	ssyncadd.s32 $0xFFFFC000  }
0x3f: {  	[hbm4b:s13+s4] =	stream.linear.scatter [tilespmem:s8], [sflag:$0x3], $0x4000, $0x38;
	[tilespmem:$0x10100] =	vst v63  }
0x40: {  	_ =	swait.ge [sflag:s12], $0x4000  }
0x41: {  	[sflag:s12] =	ssyncset.done $0x0  }
0x42: {  	[sflag:s12] =	ssyncadd.s32 $0xFFFFC000  }
0x43: {  	[hbm4b:s14+s4] =	stream.linear.scatter [tilespmem:s9], [sflag:$0x3], $0x4000, $0x38;
	[tilespmem:$0x10100] =	vst v63  }
0x44: {  	_ =	swait.ge [sflag:s15], $0x4000  }
0x45: {  	[sflag:s15] =	ssyncset.done $0x0  }
0x46: {  	[sflag:s15] =	ssyncadd.s32 $0xFFFFC000  }
0x47: {  	[hbm4b:s16+s4] =	stream.linear.scatter [tilespmem:s10], [sflag:$0x4], $0x4000, $0x38;
	[tilespmem:$0x10100] =	vst v63  }
0x48: {  	_ =	swait.ge [sflag:s15], $0x4000  }
0x49: {  	[sflag:s15] =	ssyncset.done $0x0  }
0x4a: {  	[sflag:s15] =	ssyncadd.s32 $0xFFFFC000  }
0x4b: {  	[hbm4b:s17+s4] =	stream.linear.scatter [tilespmem:s11], [sflag:$0x4], $0x4000, $0x38;
	[tilespmem:$0x10100] =	vst v63  }
0x4c: {  	_ =	swait.ge [sflag:s18], $0x4000  }
0x4d: {  	[sflag:s18] =	ssyncset.done $0x0  }
0x4e: {  	[sflag:s18] =	ssyncadd.s32 $0xFFFFC000  }
0x4f: {  	_ =	swait.ge [sflag:s18], $0x4000  }
0x50: {  	[sflag:s18] =	ssyncset.done $0x0  }
0x51: {  	[sflag:s18] =	ssyncadd.s32 $0xFFFFC000  }
.Ltmp1:
0x52: {  	_ =	swait.ge [sflag:s19], $0x4000;
	(pc) =	sbr.rel @p0 .LBB2_1-.Ltmp1, $4  }
0x53: {  	[sflag:s19] =	ssyncset.done $0x0  }
0x54: {  	[sflag:s19] =	ssyncadd.s32 $0xFFFFC000  }
0x55: {  	_ =	swait.ge [sflag:s19], $0x4000  }
0x56: {  	[sflag:s19] =	ssyncset.done $0x0  }
.LBB2_2:
0x57: {  	[sflag:s19] =	ssyncadd.s32 $0xFFFFC000  }
0x58: {  	_ =	sfence.sel $0x180000  }
0x59: {  	[bflag:$0x0] =	sbarrier.arrive $0xFFFF  }
0x5a: {  	p0 =	sne.s32 s0, $0x0;
	_ =	strace $0x90000047  }
0x5b: {  	s0 =	sadd.s32 @!p0 $0x100000, s2;
	[bflag:$0x2] =	sbarrier.arrive $0xFFFF  }
0x5c: {  	[sflag:s0] =	ssyncadd.tile.s32 @!p0 $0x1;
	_ =	shalt  }
.Lfunc_end2:
_tile_overlayer_lowered:
.L_overlay_start_2:
0x5d: {  	(tag) =	ssettag $0x2  }
0x5e: {  	s0 =	rddreg [dreg:$0x0];
	s2 =	stileid.u32  }
0x5f: {  	s1 =	rddreg [dreg:$0x1];
	p0 =	sne.s32 s2, $0x0  }
0x60: {  	s3 =	rddreg [dreg:$0x2];
	[bflag:$0x3] =	sbarrier.arrive $0xFFFF;
	s2 =	simm.s32 @!p0 $0x1C05  }
0x61: {  	[timem:s3], [sflag:s2] =	dma.local @!p0 [hbm:s0], s1  }
0x62: {  	s0 =	simm.s32 @!p0 $0x5  }
0x63: {  	_ =	swait.ge @!p0 [sflag:s0], s1  }
0x64: {  	s1 =	ssub.s32 @!p0 $0x0, s1;
	[sflag:s0] =	ssyncset.done @!p0 $0x0  }
0x65: {  	[sflag:s0] =	ssyncadd.s32 @!p0 s1  }
0x66: {  	[bflag:$0x3] =	sbarrier.arrive $0xFFFF  }
0x67: {  	_ =	shalt  }

</sc_bundles>
